<compile_context>
chip_gen: v7x
topology: tpu7x:2x2x1
jax: 0.10.2.dev20260603
libtpu: 0.0.44.dev20260713+nightly
codegen_flags: <defaults>
</compile_context>

<pallas_src>
import jax
import jax.numpy as jnp
from jax import lax
from jax.experimental import pallas as pl
from jax.experimental.pallas import tpu as pltpu
from jax.experimental.pallas import tpu_sc as plsc

DIM = 4096
NW = 32
CHUNK = 8
NCHUNKS = 100
IDX_LOAD = 32


def _gather_body(idx_hbm, table_hbm, out_hbm, idx_v, rows0, rows1,
                 g0, g1, w0, w1):
    wid = lax.axis_index("s") * 2 + lax.axis_index("c")
    start = 3 * wid + jnp.minimum(wid, 4)
    rows = (rows0, rows1)
    gsem = (g0, g1)
    wsem = (w0, w1)

    pltpu.sync_copy(idx_hbm.at[pl.ds(start * CHUNK, IDX_LOAD)], idx_v)

    def gather(k):
        return pltpu.make_async_copy(
            table_hbm.at[idx_v.at[pl.ds(k * CHUNK, CHUNK)]],
            rows[k % 2], gsem[k % 2])

    def write(k):
        return pltpu.make_async_copy(
            rows[k % 2], out_hbm.at[pl.ds((start + k) * CHUNK, CHUNK)],
            wsem[k % 2])

    gather(0).start()
    gather(1).start()

    gather(0).wait()
    write(0).start()
    write(0).wait()
    gather(2).start()

    gather(1).wait()
    write(1).start()
    write(1).wait()

    @pl.when(wid < 4)
    def _():
        gather(3).start()

    gather(2).wait()
    write(2).start()

    @pl.when(wid < 4)
    def _():
        gather(3).wait()
        write(3).start()

    write(2).wait()

    @pl.when(wid < 4)
    def _():
        write(3).wait()


@jax.jit
def kernel(indices, embedding_table):
    b, t = indices.shape
    n = b * t
    idx_flat = indices.reshape(n).astype(jnp.int32)
    idx_flat = jnp.pad(idx_flat, (0, NW * IDX_LOAD - n))
    mesh = plsc.VectorSubcoreMesh(core_axis_name="c", subcore_axis_name="s")
    out = pl.kernel(
        _gather_body,
        mesh=mesh,
        out_type=jax.ShapeDtypeStruct((n, DIM), jnp.float32),
        scratch_types=[
            pltpu.VMEM((IDX_LOAD,), jnp.int32),
            pltpu.VMEM((CHUNK, DIM), jnp.float32),
            pltpu.VMEM((CHUNK, DIM), jnp.float32),
            pltpu.SemaphoreType.DMA,
            pltpu.SemaphoreType.DMA,
            pltpu.SemaphoreType.DMA,
            pltpu.SemaphoreType.DMA,
        ],
    )(idx_flat, embedding_table)
    return out.reshape(b, t, DIM)

# --- scband reference (transcript-rebuilt; emitter-appended) ---
"""Pipeline reference for scband-prompt-embedding-69990787055626 (READ-ONLY COPY).

The authoritative reference and input builder live on the scoring server;
editing this copy changes nothing except your own understanding.
"""

import jax, jax.numpy as jnp
import numpy as np

TOTAL_VIRTUAL_TOKENS = 100 * 2  # num_virtual_tokens * num_transformer_submodules
TOKEN_DIM = 4096
BATCH = 4


def setup_inputs(seed: int = 0) -> dict:
    key = jax.random.key(seed)
    k_emb, k_idx = jax.random.split(key)
    # learned prompt embedding table, nn.Embedding default init ~ N(0,1)
    embedding_table = jax.random.normal(k_emb, (TOTAL_VIRTUAL_TOKENS, TOKEN_DIM), dtype=jnp.float32)
    indices = jax.random.randint(k_idx, (BATCH, TOTAL_VIRTUAL_TOKENS), 0, TOTAL_VIRTUAL_TOKENS, dtype=jnp.int64 if jax.config.jax_enable_x64 else jnp.int32)
    return {"indices": indices, "embedding_table": embedding_table}


def reference(indices, embedding_table):
    # PromptEmbedding.forward: self.embeddings(indices) -> pure embedding lookup (gather)
    return jnp.take(embedding_table, indices, axis=0)

if __name__ == "__main__":
    import jax
    _d = setup_inputs()
    print(jax.jit(kernel)(*tuple(_d.values())))

</pallas_src>

<mosaic_0001>
#map = affine_map<(d0, d1) -> (0)>
#map1 = affine_map<(d0, d1) -> (0, 0)>
module attributes {stable_mosaic.version = 14 : i64} {
  func.func @_gather_body(%arg0: i32, %arg1: i32, %arg2: memref<1024xi32, #tpu.memory_space<hbm>>, %arg3: memref<200x4096xf32, #tpu.memory_space<hbm>>, %arg4: memref<800x4096xf32, #tpu.memory_space<hbm>>, %arg5: memref<32xi32, #tpu.memory_space<vmem>>, %arg6: memref<8x4096xf32, #tpu.memory_space<vmem>>, %arg7: memref<8x4096xf32, #tpu.memory_space<vmem>>, %arg8: memref<!tpu.dma_semaphore, #tpu.memory_space<semaphore_mem>>, %arg9: memref<!tpu.dma_semaphore, #tpu.memory_space<semaphore_mem>>, %arg10: memref<!tpu.dma_semaphore, #tpu.memory_space<semaphore_mem>>, %arg11: memref<!tpu.dma_semaphore, #tpu.memory_space<semaphore_mem>>) attributes {dimension_semantics = [#tpu.dimension_semantics<core_parallel>, #tpu.dimension_semantics<subcore_parallel>], iteration_bounds = array<i64: 2, 16>, scalar_prefetch = 0 : i64, scratch_operands = 7 : i64, tpu.core_type = #tpu.core_type<sc_vector_subcore>, window_params = [{transform_indices = #map}, {transform_indices = #map1}, {transform_indices = #map1}]} {
    %mul3A = arith.constant 2 : i32
    %mul3A_0 = arith.muli %arg1, %mul3A : i32
    %add3A = arith.addi %mul3A_0, %arg0 : i32
    %mul3A_1 = arith.constant 3 : i32
    %mul3A_2 = arith.muli %mul3A_1, %add3A : i32
    %min3A = arith.constant 4 : i32
    %min3A_3 = arith.minsi %add3A, %min3A : i32
    %add3A_4 = arith.addi %mul3A_2, %min3A_3 : i32
    %mul3A_5 = arith.constant 8 : i32
    %mul3A_6 = arith.muli %add3A_4, %mul3A_5 : i32
    "tpu.region"() ({
      %run_scoped3A = tpu.sem_alloc : memref<!tpu.dma_semaphore, #tpu.memory_space<semaphore_mem>>
      %dma_start3A_95 = tpu.memref_slice %arg2[%mul3A_6] : memref<1024xi32, #tpu.memory_space<hbm>> -> memref<32xi32, #tpu.memory_space<hbm>>
      %dma_start3A_96 = tpu.memref_slice %arg2[%mul3A_6] : memref<1024xi32, #tpu.memory_space<hbm>> -> memref<32xi32, #tpu.memory_space<hbm>>
      tpu.enqueue_dma source(%dma_start3A_96 : memref<32xi32, #tpu.memory_space<hbm>>) target(%arg5 : memref<32xi32, #tpu.memory_space<vmem>>) target_semaphore(%run_scoped3A : memref<!tpu.dma_semaphore, #tpu.memory_space<semaphore_mem>>)
      %dma_wait3A_97 = tpu.memref_slice %arg2[%mul3A_6] : memref<1024xi32, #tpu.memory_space<hbm>> -> memref<32xi32, #tpu.memory_space<hbm>>
      %dma_wait3A_98 = tpu.memref_slice %arg2[%mul3A_6] : memref<1024xi32, #tpu.memory_space<hbm>> -> memref<32xi32, #tpu.memory_space<hbm>>
      tpu.wait_dma2 semaphore(%run_scoped3A : memref<!tpu.dma_semaphore, #tpu.memory_space<semaphore_mem>>) src(%dma_wait3A_98 : memref<32xi32, #tpu.memory_space<hbm>>) dst(%arg5 : memref<32xi32, #tpu.memory_space<vmem>>)
      tpu.yield
    }) : () -> ()
    %dma_start3A = arith.constant 0 : i32
    %dma_start3A_7 = tpu.memref_slice %arg5[%dma_start3A] : memref<32xi32, #tpu.memory_space<vmem>> -> memref<8xi32, #tpu.memory_space<vmem>>
    %dma_start3A_8 = arith.constant 0 : i32
    %dma_start3A_9 = arith.constant 0 : i32
    %dma_start3A_10 = tpu.memref_slice %arg3[%dma_start3A_8, %dma_start3A_9] : memref<200x4096xf32, #tpu.memory_space<hbm>> -> memref<200x4096xf32, #tpu.memory_space<hbm>>
    tpu.enqueue_indirect_dma source(%dma_start3A_10 : memref<200x4096xf32, #tpu.memory_space<hbm>>) target(%arg6 : memref<8x4096xf32, #tpu.memory_space<vmem>>) offsets(%dma_start3A_7 : memref<8xi32, #tpu.memory_space<vmem>>) semaphore(%arg8 : memref<!tpu.dma_semaphore, #tpu.memory_space<semaphore_mem>>)
    %dma_start3A_11 = arith.constant 8 : i32
    %dma_start3A_12 = tpu.memref_slice %arg5[%dma_start3A_11] : memref<32xi32, #tpu.memory_space<vmem>> -> memref<8xi32, #tpu.memory_space<vmem>>
    %dma_start3A_13 = arith.constant 0 : i32
    %dma_start3A_14 = arith.constant 0 : i32
    %dma_start3A_15 = tpu.memref_slice %arg3[%dma_start3A_13, %dma_start3A_14] : memref<200x4096xf32, #tpu.memory_space<hbm>> -> memref<200x4096xf32, #tpu.memory_space<hbm>>
    tpu.enqueue_indirect_dma source(%dma_start3A_15 : memref<200x4096xf32, #tpu.memory_space<hbm>>) target(%arg7 : memref<8x4096xf32, #tpu.memory_space<vmem>>) offsets(%dma_start3A_12 : memref<8xi32, #tpu.memory_space<vmem>>) semaphore(%arg9 : memref<!tpu.dma_semaphore, #tpu.memory_space<semaphore_mem>>)
    %dma_wait3A = arith.constant 0 : i32
    %dma_wait3A_16 = tpu.memref_slice %arg5[%dma_wait3A] : memref<32xi32, #tpu.memory_space<vmem>> -> memref<8xi32, #tpu.memory_space<vmem>>
    %dma_wait3A_17 = arith.constant 0 : i32
    %dma_wait3A_18 = arith.constant 0 : i32
    %dma_wait3A_19 = tpu.memref_slice %arg3[%dma_wait3A_17, %dma_wait3A_18] : memref<200x4096xf32, #tpu.memory_space<hbm>> -> memref<200x4096xf32, #tpu.memory_space<hbm>>
    tpu.wait_indirect_dma semaphore(%arg8 : memref<!tpu.dma_semaphore, #tpu.memory_space<semaphore_mem>>) src(%dma_wait3A_19 : memref<200x4096xf32, #tpu.memory_space<hbm>>) dst(%arg6 : memref<8x4096xf32, #tpu.memory_space<vmem>>)
    %add3A_20 = arith.constant 0 : i32
    %add3A_21 = arith.addi %add3A_4, %add3A_20 : i32
    %mul3A_22 = arith.constant 8 : i32
    %mul3A_23 = arith.muli %add3A_21, %mul3A_22 : i32
    %dma_start3A_24 = arith.constant 0 : i32
    %dma_start3A_25 = tpu.memref_slice %arg4[%mul3A_23, %dma_start3A_24] : memref<800x4096xf32, #tpu.memory_space<hbm>> -> memref<8x4096xf32, #tpu.memory_space<hbm>>
    %dma_start3A_26 = arith.constant 0 : i32
    %dma_start3A_27 = tpu.memref_slice %arg4[%mul3A_23, %dma_start3A_26] : memref<800x4096xf32, #tpu.memory_space<hbm>> -> memref<8x4096xf32, #tpu.memory_space<hbm>>
    tpu.enqueue_dma source(%arg6 : memref<8x4096xf32, #tpu.memory_space<vmem>>) target(%dma_start3A_27 : memref<8x4096xf32, #tpu.memory_space<hbm>>) target_semaphore(%arg10 : memref<!tpu.dma_semaphore, #tpu.memory_space<semaphore_mem>>)
    %add3A_28 = arith.constant 0 : i32
    %add3A_29 = arith.addi %add3A_4, %add3A_28 : i32
    %mul3A_30 = arith.constant 8 : i32
    %mul3A_31 = arith.muli %add3A_29, %mul3A_30 : i32
    %dma_wait3A_32 = arith.constant 0 : i32
    %dma_wait3A_33 = tpu.memref_slice %arg4[%mul3A_31, %dma_wait3A_32] : memref<800x4096xf32, #tpu.memory_space<hbm>> -> memref<8x4096xf32, #tpu.memory_space<hbm>>
    %dma_wait3A_34 = arith.constant 0 : i32
    %dma_wait3A_35 = tpu.memref_slice %arg4[%mul3A_31, %dma_wait3A_34] : memref<800x4096xf32, #tpu.memory_space<hbm>> -> memref<8x4096xf32, #tpu.memory_space<hbm>>
    tpu.wait_dma2 semaphore(%arg10 : memref<!tpu.dma_semaphore, #tpu.memory_space<semaphore_mem>>) src(%arg6 : memref<8x4096xf32, #tpu.memory_space<vmem>>) dst(%dma_wait3A_35 : memref<8x4096xf32, #tpu.memory_space<hbm>>)
    %dma_start3A_36 = arith.constant 16 : i32
    %dma_start3A_37 = tpu.memref_slice %arg5[%dma_start3A_36] : memref<32xi32, #tpu.memory_space<vmem>> -> memref<8xi32, #tpu.memory_space<vmem>>
    %dma_start3A_38 = arith.constant 0 : i32
    %dma_start3A_39 = arith.constant 0 : i32
    %dma_start3A_40 = tpu.memref_slice %arg3[%dma_start3A_38, %dma_start3A_39] : memref<200x4096xf32, #tpu.memory_space<hbm>> -> memref<200x4096xf32, #tpu.memory_space<hbm>>
    tpu.enqueue_indirect_dma source(%dma_start3A_40 : memref<200x4096xf32, #tpu.memory_space<hbm>>) target(%arg6 : memref<8x4096xf32, #tpu.memory_space<vmem>>) offsets(%dma_start3A_37 : memref<8xi32, #tpu.memory_space<vmem>>) semaphore(%arg8 : memref<!tpu.dma_semaphore, #tpu.memory_space<semaphore_mem>>)
    %dma_wait3A_41 = arith.constant 8 : i32
    %dma_wait3A_42 = tpu.memref_slice %arg5[%dma_wait3A_41] : memref<32xi32, #tpu.memory_space<vmem>> -> memref<8xi32, #tpu.memory_space<vmem>>
    %dma_wait3A_43 = arith.constant 0 : i32
    %dma_wait3A_44 = arith.constant 0 : i32
    %dma_wait3A_45 = tpu.memref_slice %arg3[%dma_wait3A_43, %dma_wait3A_44] : memref<200x4096xf32, #tpu.memory_space<hbm>> -> memref<200x4096xf32, #tpu.memory_space<hbm>>
    tpu.wait_indirect_dma semaphore(%arg9 : memref<!tpu.dma_semaphore, #tpu.memory_space<semaphore_mem>>) src(%dma_wait3A_45 : memref<200x4096xf32, #tpu.memory_space<hbm>>) dst(%arg7 : memref<8x4096xf32, #tpu.memory_space<vmem>>)
    %add3A_46 = arith.constant 1 : i32
    %add3A_47 = arith.addi %add3A_4, %add3A_46 : i32
    %mul3A_48 = arith.constant 8 : i32
    %mul3A_49 = arith.muli %add3A_47, %mul3A_48 : i32
    %dma_start3A_50 = arith.constant 0 : i32
    %dma_start3A_51 = tpu.memref_slice %arg4[%mul3A_49, %dma_start3A_50] : memref<800x4096xf32, #tpu.memory_space<hbm>> -> memref<8x4096xf32, #tpu.memory_space<hbm>>
    %dma_start3A_52 = arith.constant 0 : i32
    %dma_start3A_53 = tpu.memref_slice %arg4[%mul3A_49, %dma_start3A_52] : memref<800x4096xf32, #tpu.memory_space<hbm>> -> memref<8x4096xf32, #tpu.memory_space<hbm>>
    tpu.enqueue_dma source(%arg7 : memref<8x4096xf32, #tpu.memory_space<vmem>>) target(%dma_start3A_53 : memref<8x4096xf32, #tpu.memory_space<hbm>>) target_semaphore(%arg11 : memref<!tpu.dma_semaphore, #tpu.memory_space<semaphore_mem>>)
    %add3A_54 = arith.constant 1 : i32
    %add3A_55 = arith.addi %add3A_4, %add3A_54 : i32
    %mul3A_56 = arith.constant 8 : i32
    %mul3A_57 = arith.muli %add3A_55, %mul3A_56 : i32
    %dma_wait3A_58 = arith.constant 0 : i32
    %dma_wait3A_59 = tpu.memref_slice %arg4[%mul3A_57, %dma_wait3A_58] : memref<800x4096xf32, #tpu.memory_space<hbm>> -> memref<8x4096xf32, #tpu.memory_space<hbm>>
    %dma_wait3A_60 = arith.constant 0 : i32
    %dma_wait3A_61 = tpu.memref_slice %arg4[%mul3A_57, %dma_wait3A_60] : memref<800x4096xf32, #tpu.memory_space<hbm>> -> memref<8x4096xf32, #tpu.memory_space<hbm>>
    tpu.wait_dma2 semaphore(%arg11 : memref<!tpu.dma_semaphore, #tpu.memory_space<semaphore_mem>>) src(%arg7 : memref<8x4096xf32, #tpu.memory_space<vmem>>) dst(%dma_wait3A_61 : memref<8x4096xf32, #tpu.memory_space<hbm>>)
    %lt3A = arith.constant 4 : i32
    %lt3A_62 = arith.cmpi slt, %add3A, %lt3A : i32
    %convert_element_type3A = arith.extui %lt3A_62 : i1 to i32
    %cond3A = arith.constant 0 : i32
    %cond3A_63 = arith.cmpi ne, %convert_element_type3A, %cond3A : i32
    scf.if %cond3A_63 {
      %dma_start3A_95 = arith.constant 24 : i32
      %dma_start3A_96 = tpu.memref_slice %arg5[%dma_start3A_95] : memref<32xi32, #tpu.memory_space<vmem>> -> memref<8xi32, #tpu.memory_space<vmem>>
      %dma_start3A_97 = arith.constant 0 : i32
      %dma_start3A_98 = arith.constant 0 : i32
      %dma_start3A_99 = tpu.memref_slice %arg3[%dma_start3A_97, %dma_start3A_98] : memref<200x4096xf32, #tpu.memory_space<hbm>> -> memref<200x4096xf32, #tpu.memory_space<hbm>>
      tpu.enqueue_indirect_dma source(%dma_start3A_99 : memref<200x4096xf32, #tpu.memory_space<hbm>>) target(%arg7 : memref<8x4096xf32, #tpu.memory_space<vmem>>) offsets(%dma_start3A_96 : memref<8xi32, #tpu.memory_space<vmem>>) semaphore(%arg9 : memref<!tpu.dma_semaphore, #tpu.memory_space<semaphore_mem>>)
    } else {
    }
    %dma_wait3A_64 = arith.constant 16 : i32
    %dma_wait3A_65 = tpu.memref_slice %arg5[%dma_wait3A_64] : memref<32xi32, #tpu.memory_space<vmem>> -> memref<8xi32, #tpu.memory_space<vmem>>
    %dma_wait3A_66 = arith.constant 0 : i32
    %dma_wait3A_67 = arith.constant 0 : i32
    %dma_wait3A_68 = tpu.memref_slice %arg3[%dma_wait3A_66, %dma_wait3A_67] : memref<200x4096xf32, #tpu.memory_space<hbm>> -> memref<200x4096xf32, #tpu.memory_space<hbm>>
    tpu.wait_indirect_dma semaphore(%arg8 : memref<!tpu.dma_semaphore, #tpu.memory_space<semaphore_mem>>) src(%dma_wait3A_68 : memref<200x4096xf32, #tpu.memory_space<hbm>>) dst(%arg6 : memref<8x4096xf32, #tpu.memory_space<vmem>>)
    %add3A_69 = arith.constant 2 : i32
    %add3A_70 = arith.addi %add3A_4, %add3A_69 : i32
    %mul3A_71 = arith.constant 8 : i32
    %mul3A_72 = arith.muli %add3A_70, %mul3A_71 : i32
    %dma_start3A_73 = arith.constant 0 : i32
    %dma_start3A_74 = tpu.memref_slice %arg4[%mul3A_72, %dma_start3A_73] : memref<800x4096xf32, #tpu.memory_space<hbm>> -> memref<8x4096xf32, #tpu.memory_space<hbm>>
    %dma_start3A_75 = arith.constant 0 : i32
    %dma_start3A_76 = tpu.memref_slice %arg4[%mul3A_72, %dma_start3A_75] : memref<800x4096xf32, #tpu.memory_space<hbm>> -> memref<8x4096xf32, #tpu.memory_space<hbm>>
    tpu.enqueue_dma source(%arg6 : memref<8x4096xf32, #tpu.memory_space<vmem>>) target(%dma_start3A_76 : memref<8x4096xf32, #tpu.memory_space<hbm>>) target_semaphore(%arg10 : memref<!tpu.dma_semaphore, #tpu.memory_space<semaphore_mem>>)
    %lt3A_77 = arith.constant 4 : i32
    %lt3A_78 = arith.cmpi slt, %add3A, %lt3A_77 : i32
    %convert_element_type3A_79 = arith.extui %lt3A_78 : i1 to i32
    %cond3A_80 = arith.constant 0 : i32
    %cond3A_81 = arith.cmpi ne, %convert_element_type3A_79, %cond3A_80 : i32
    scf.if %cond3A_81 {
      %dma_wait3A_95 = arith.constant 24 : i32
      %dma_wait3A_96 = tpu.memref_slice %arg5[%dma_wait3A_95] : memref<32xi32, #tpu.memory_space<vmem>> -> memref<8xi32, #tpu.memory_space<vmem>>
      %dma_wait3A_97 = arith.constant 0 : i32
      %dma_wait3A_98 = arith.constant 0 : i32
      %dma_wait3A_99 = tpu.memref_slice %arg3[%dma_wait3A_97, %dma_wait3A_98] : memref<200x4096xf32, #tpu.memory_space<hbm>> -> memref<200x4096xf32, #tpu.memory_space<hbm>>
      tpu.wait_indirect_dma semaphore(%arg9 : memref<!tpu.dma_semaphore, #tpu.memory_space<semaphore_mem>>) src(%dma_wait3A_99 : memref<200x4096xf32, #tpu.memory_space<hbm>>) dst(%arg7 : memref<8x4096xf32, #tpu.memory_space<vmem>>)
      %add3A_100 = arith.constant 3 : i32
      %add3A_101 = arith.addi %add3A_4, %add3A_100 : i32
      %mul3A_102 = arith.constant 8 : i32
      %mul3A_103 = arith.muli %add3A_101, %mul3A_102 : i32
      %dma_start3A_104 = arith.constant 0 : i32
      %dma_start3A_105 = tpu.memref_slice %arg4[%mul3A_103, %dma_start3A_104] : memref<800x4096xf32, #tpu.memory_space<hbm>> -> memref<8x4096xf32, #tpu.memory_space<hbm>>
      %dma_start3A_106 = arith.constant 0 : i32
      %dma_start3A_107 = tpu.memref_slice %arg4[%mul3A_103, %dma_start3A_106] : memref<800x4096xf32, #tpu.memory_space<hbm>> -> memref<8x4096xf32, #tpu.memory_space<hbm>>
      tpu.enqueue_dma source(%arg7 : memref<8x4096xf32, #tpu.memory_space<vmem>>) target(%dma_start3A_107 : memref<8x4096xf32, #tpu.memory_space<hbm>>) target_semaphore(%arg11 : memref<!tpu.dma_semaphore, #tpu.memory_space<semaphore_mem>>)
    } else {
    }
    %add3A_82 = arith.constant 2 : i32
    %add3A_83 = arith.addi %add3A_4, %add3A_82 : i32
    %mul3A_84 = arith.constant 8 : i32
    %mul3A_85 = arith.muli %add3A_83, %mul3A_84 : i32
    %dma_wait3A_86 = arith.constant 0 : i32
    %dma_wait3A_87 = tpu.memref_slice %arg4[%mul3A_85, %dma_wait3A_86] : memref<800x4096xf32, #tpu.memory_space<hbm>> -> memref<8x4096xf32, #tpu.memory_space<hbm>>
    %dma_wait3A_88 = arith.constant 0 : i32
    %dma_wait3A_89 = tpu.memref_slice %arg4[%mul3A_85, %dma_wait3A_88] : memref<800x4096xf32, #tpu.memory_space<hbm>> -> memref<8x4096xf32, #tpu.memory_space<hbm>>
    tpu.wait_dma2 semaphore(%arg10 : memref<!tpu.dma_semaphore, #tpu.memory_space<semaphore_mem>>) src(%arg6 : memref<8x4096xf32, #tpu.memory_space<vmem>>) dst(%dma_wait3A_89 : memref<8x4096xf32, #tpu.memory_space<hbm>>)
    %lt3A_90 = arith.constant 4 : i32
    %lt3A_91 = arith.cmpi slt, %add3A, %lt3A_90 : i32
    %convert_element_type3A_92 = arith.extui %lt3A_91 : i1 to i32
    %cond3A_93 = arith.constant 0 : i32
    %cond3A_94 = arith.cmpi ne, %convert_element_type3A_92, %cond3A_93 : i32
    scf.if %cond3A_94 {
      %add3A_95 = arith.constant 3 : i32
      %add3A_96 = arith.addi %add3A_4, %add3A_95 : i32
      %mul3A_97 = arith.constant 8 : i32
      %mul3A_98 = arith.muli %add3A_96, %mul3A_97 : i32
      %dma_wait3A_99 = arith.constant 0 : i32
      %dma_wait3A_100 = tpu.memref_slice %arg4[%mul3A_98, %dma_wait3A_99] : memref<800x4096xf32, #tpu.memory_space<hbm>> -> memref<8x4096xf32, #tpu.memory_space<hbm>>
      %dma_wait3A_101 = arith.constant 0 : i32
      %dma_wait3A_102 = tpu.memref_slice %arg4[%mul3A_98, %dma_wait3A_101] : memref<800x4096xf32, #tpu.memory_space<hbm>> -> memref<8x4096xf32, #tpu.memory_space<hbm>>
      tpu.wait_dma2 semaphore(%arg11 : memref<!tpu.dma_semaphore, #tpu.memory_space<semaphore_mem>>) src(%arg7 : memref<8x4096xf32, #tpu.memory_space<vmem>>) dst(%dma_wait3A_102 : memref<8x4096xf32, #tpu.memory_space<hbm>>)
    } else {
    }
    return
  }
}

</mosaic_0001>

<sc_bundles>
// kernel: kernel.3.cloned.1.call-start
scs
__scs_entry_jumppad:
0x0: {  	(pc) =	sbr.rel $0x88, $3  }
0x1: {  	(tag) =	ssettag $0x0;
	lr =	simm.s32 $0x1  }
0x2: {  	[smem:$0x3F9F] =	sst lr;
	_ =	strace $0xD0000000  }
0x3: {  	_ = 	snop  }
0x4: {  	_ = 	snop  }
0x5: {  	_ = 	snop  }
0x6: {  	_ = 	snop  }
0x7: {  	_ = 	snop  }
__scs_overlays_trampoline_lowered:
0x8: {  	[smem:$0x3FAE] =	sst s0  }
0x9: {  	[smem:$0x3FAF] =	sst s1  }
0xa: {  	[smem:$0x3FB0] =	sst s2  }
0xb: {  	[smem:$0x3FB1] =	sst s3  }
0xc: {  	[smem:$0x3FB2] =	sst s4  }
0xd: {  	[smem:$0x3FB3] =	sst s5  }
0xe: {  	[smem:$0x3FB4] =	sst s6  }
0xf: {  	[smem:$0x3FB5] =	sst s7  }
0x10: {  	[smem:$0x3FB6] =	sst s8  }
0x11: {  	[smem:$0x3FB7] =	sst s9;
	s0 =	simm.s32 @!p0 $0x0  }
0x12: {  	s1 =	sld [smem:$0x3F9D];
	s0 =	simm.s32 @p0 $0x1  }
0x13: {  	[smem:$0x3FB8] =	sst s0;
	s0 =	simm.s32 @!p1 $0x0  }
0x14: {  	s2 =	sld [smem:$0x3F9C];
	s0 =	simm.s32 @p1 $0x1  }
0x15: {  	[smem:$0x3FB9] =	sst s0;
	s0 =	simm.s32 @!p2 $0x0  }
0x16: {  	s3 =	sld [smem:$0x3FDB];
	s0 =	simm.s32 @p2 $0x1  }
0x17: {  	s4 =	simm.s32 $0x1BF5;
	[smem:$0x3FBB] =	sst s0  }
0x18: {  	s0 =	sld [smem:$0x3F9E];
	_ =	swait.ge [sflag:s4], $0x0  }
0x19: {  	s7 =	sld [smem:$0x3F9F]  }
0x1a: {  	s8 =	sadd.s32 $0xFFFFE003, lr  }
0x1b: {  	s9 =	sadd.s32 $0xFFFFFEF7, lr;
	s5 =	simm.s32 $0xFFFFFFFF;
	p2 =	slt.u32 s8, $0xFFFFF086  }
0x1c: {  	p1 =	slt.u32 s9, $0xF7A;
	s5 =	simm.s32 @!p2 $0x0  }
0x1d: {  	s5 =	simm.s32 @p1 $0x1;
	p0 =	seq.s32 s7, s2  }
0x1e: {  	s7 =	smul.u32 @!p0 $0xF7A, s2;
	p2 =	seq.s32 @!p0 s5, $0x0  }
0x1f: {  	s9 =	smul.u32 $0xF7A, s1;
	s8 =	simm.s32 @!p0 $0x1BF5;
	p2 =	por !p2, p0  }
0x20: {  	[sflag:s8] =	ssyncset.s32 @!p0 $0xFFFFF086;
	s6 =	sadd.s32 @!p0 s3, s7;
	s7 =	simm.s32 @!p0 $0x108  }
0x21: {  	s3 =	sadd.s32 s3, s9;
	s6 =	sadd.s32 @!p0 $0x88, s6;
	s7 =	simm.s32 @p2 $0x1082  }
0x22: {  	[simem:s7], [sflag:s8] =	dma.local @!p0 [hbm:s6], $0xF7A  }
0x23: {  	s9 =	sor.u32 $0xD0000000, s2;
	s6 =	simm.s32 $0x108;
	_ =	swait.ge @!p0 [sflag:s8], $0x0  }
0x24: {  	s3 =	sadd.s32 $0x88, s3;
	s6 =	simm.s32 @!p1 $0x1082;
	[sflag:s4] =	ssyncset.s32 $0xFFFFF086  }
0x25: {  	[simem:s6], [sflag:s4] =	dma.local [hbm:s3], $0xF7A  }
0x26: {  	[smem:$0x3F9F] =	sst s1;
	(tag) =	ssettag s2;
	_ =	strace s9  }
0x27: {  	s1 =	sld [smem:$0x3FAF]  }
0x28: {  	s2 =	sld [smem:$0x3FB0]  }
0x29: {  	s4 =	sld [smem:$0x3FB2]  }
0x2a: {  	p0 =	seq.s32 s5, $0x0;
	s5 =	sld [smem:$0x3FB3]  }
0x2b: {  	s6 =	sld [smem:$0x3FB4]  }
0x2c: {  	s7 =	sld [smem:$0x3FB5]  }
0x2d: {  	s3 =	simm.s32 $0x108;
	s8 =	sld [smem:$0x3FB6]  }
0x2e: {  	s3 =	simm.s32 @!p0 $0x1082;
	s9 =	sld [smem:$0x3FB7]  }
0x2f: {  	lr =	sadd.s32 s0, s3;
	s0 =	sld [smem:$0x3FAE]  }
0x30: {  	s3 =	sld [smem:$0x3FB1]  }
0x31: {  	[smem:$0x3FBA] =	sst s10  }
0x32: {  	s10 =	sld [smem:$0x3FB8];
	_ =	sdelay $0x3  }
0x33: {  	p0 =	seq.s32 s10, $0x1;
	s10 =	sld [smem:$0x3FBA];
	_ =	sdelay $0x3  }
0x34: {  	[smem:$0x3FBA] =	sst s10  }
0x35: {  	s10 =	sld [smem:$0x3FB9];
	_ =	sdelay $0x3  }
0x36: {  	p1 =	seq.s32 s10, $0x1;
	s10 =	sld [smem:$0x3FBA];
	_ =	sdelay $0x3  }
0x37: {  	[smem:$0x3FBA] =	sst s10  }
0x38: {  	s10 =	sld [smem:$0x3FBB]  }
0x39: {  	_ = 	snop;
	(pc) =	sbr.ind lr, $3  }
0x3a: {  	_ = 	snop  }
0x3b: {  	_ = 	snop  }
0x3c: {  	p2 =	seq.s32 s10, $0x1;
	s10 =	sld [smem:$0x3FBA]  }
0x3d: {  	_ =	shalt  }
0x3e: {  	_ =	shalt  }
0x3f: {  	_ =	shalt  }
0x40: {  	_ =	shalt  }
0x41: {  	_ =	shalt  }
0x42: {  	_ =	shalt  }
0x43: {  	_ =	shalt  }
0x44: {  	_ =	shalt  }
0x45: {  	_ =	shalt  }
0x46: {  	_ =	shalt  }
0x47: {  	_ =	shalt  }
0x48: {  	_ =	shalt  }
0x49: {  	_ =	shalt  }
0x4a: {  	_ =	shalt  }
0x4b: {  	_ =	shalt  }
0x4c: {  	_ =	shalt  }
0x4d: {  	_ =	shalt  }
0x4e: {  	_ =	shalt  }
0x4f: {  	_ =	shalt  }
0x50: {  	_ =	shalt  }
0x51: {  	_ =	shalt  }
0x52: {  	_ =	shalt  }
0x53: {  	_ =	shalt  }
0x54: {  	_ =	shalt  }
0x55: {  	_ =	shalt  }
0x56: {  	_ =	shalt  }
0x57: {  	_ =	shalt  }
0x58: {  	_ =	shalt  }
0x59: {  	_ =	shalt  }
0x5a: {  	_ =	shalt  }
0x5b: {  	_ =	shalt  }
0x5c: {  	_ =	shalt  }
0x5d: {  	_ =	shalt  }
0x5e: {  	_ =	shalt  }
0x5f: {  	_ =	shalt  }
0x60: {  	_ =	shalt  }
0x61: {  	_ =	shalt  }
0x62: {  	_ =	shalt  }
0x63: {  	_ =	shalt  }
0x64: {  	_ =	shalt  }
0x65: {  	_ =	shalt  }
0x66: {  	_ =	shalt  }
0x67: {  	_ =	shalt  }
0x68: {  	_ =	shalt  }
0x69: {  	_ =	shalt  }
0x6a: {  	_ =	shalt  }
0x6b: {  	_ =	shalt  }
0x6c: {  	_ =	shalt  }
0x6d: {  	_ =	shalt  }
0x6e: {  	_ =	shalt  }
0x6f: {  	_ =	shalt  }
0x70: {  	_ =	shalt  }
0x71: {  	_ =	shalt  }
0x72: {  	_ =	shalt  }
0x73: {  	_ =	shalt  }
0x74: {  	_ =	shalt  }
0x75: {  	_ =	shalt  }
0x76: {  	_ =	shalt  }
0x77: {  	_ =	shalt  }
0x78: {  	_ =	shalt  }
0x79: {  	_ =	shalt  }
0x7a: {  	_ =	shalt  }
0x7b: {  	_ =	shalt  }
0x7c: {  	_ =	shalt  }
0x7d: {  	_ =	shalt  }
0x7e: {  	_ =	shalt  }
0x7f: {  	_ =	shalt  }
0x80: {  	_ =	shalt  }
0x81: {  	_ =	shalt  }
0x82: {  	_ =	shalt  }
0x83: {  	_ =	shalt  }
0x84: {  	_ =	shalt  }
0x85: {  	_ =	shalt  }
0x86: {  	_ =	shalt  }
0x87: {  	_ =	shalt  }
.Lfunc_end0:
.L_simem_size_0:
called_computation_lowered:
.L_overlay_start_0:
0x88: {  	s2 =	sld [smem:$0x3FD9]  }
0x89: {  	s3 =	sld [smem:$0x3FFE];
	_ =	sdelay $0x1  }
0x8a: {  	s1 =	srdreg.scid  }
0x8b: {  	s0 =	sand.u32 $0x1, s1  }
0x8c: {  	s17 =	sshll.u32 s0, $0xA;
	s2 =	sadd.s32 s3, s2  }
0x8d: {  	s2 =	sadd.s32 s2, s17  }
0x8e: {  	[smem:$0x3FC6] =	sst s2  }
0x8f: {  	_ = 	snop  }
0x90: {  	s2 =	sld [smem:$0x3FC8]  }
0x91: {  	s18 =	sld [smem:$0x3FD0];
	(tm) =	ssettm $0x1  }
0x92: {  	s4 =	sld [smem:$0x3FFB];
	_ =	sdelay $0x3  }
0x93: {  	_ =	strace s4  }
0x94: {  	s4 =	sld [smem:$0x3FFC];
	_ =	sdelay $0x3  }
0x95: {  	_ =	strace s4  }
0x96: {  	s4 =	sld [smem:$0x3FFD];
	_ =	sdelay $0x3  }
0x97: {  	_ =	strace s4  }
0x98: {  	_ =	strace $0x8FFFFFFF  }
0x99: {  	s19 =	sld [smem:$0x3FDB];
	_ =	sdelay $0x1  }
0x9a: {  	s5 =	simm.s32 $_scs_section_size  }
0x9b: {  	s6 =	simm.s32 $_size__tile_overlayer_lowered;
	s7 =	simm.s32 $_tile_overlayer_lowered  }
0x9c: {  	s22 =	simm.s32 $0x1BFF;
	s21 =	sshll.u32 s7, $0x1;
	s4 =	sadd.s32 s5, s19  }
0x9d: {  	s8 =	simm.s32 $0x0;
	s20 =	sshll.u32 s6, $0x1;
	s6 =	sadd.s32 s21, s4  }
0x9e: {  	[timem:s8], [sflag:s22] =	dma.local [hbm:s6], s20  }
0x9f: {  	_ =	swait.ge [sflag:s22], s20  }
0xa0: {  	s5 =	ssub.s32 $0x0, s20;
	[sflag:s22] =	ssyncset.done $0x0  }
0xa1: {  	[sflag:s22] =	ssyncadd.s32 s5;
	_ =	sdelay $0x1  }
0xa2: {  	s23 =	simm.s32 $0x1B8B  }
0xa3: {  	_ =	swait.ge [sflag:s23], $0x1  }
0xa4: {  	[sflag:s23] =	ssyncset.done $0x0  }
0xa5: {  	s25 =	simm.s32 $0x1B8E;
	s24 =	sld [smem:$0x3FFE];
	[sflag:s23] =	ssyncadd.s32 $0xFFFFFFFF  }
0xa6: {  	s26 =	simm.s32 $execute0_lowered;
	[smem:$0x3FD2] =	sst s25  }
0xa7: {  	s6 =	sshll.u32 s26, $0x1;
	_ =	strace $0x80000046;
	[dreg:$0x1] =	wrdreg $0xFFFFFFFF  }
0xa8: {  	s28 =	simm.s32 $_size_execute0_lowered;
	s4 =	sadd.s32 s4, s6;
	[dreg:$0x0] =	wrdreg $0x0  }
0xa9: {  	s6 =	sshll.u32 s28, $0x1;
	[dreg:$0x2] =	wrdreg s4  }
0xaa: {  	[dreg:$0x3] =	wrdreg s6  }
0xab: {  	[dreg:$0x4] =	wrdreg $0xC0  }
0xac: {  	_ =	task [dreg:s8], $0x5FFFF  }
0xad: {  	[dreg:$0x1] =	wrdreg $0xFFFFFFFF  }
0xae: {  	[dreg:$0x0] =	wrdreg $0x60  }
0xaf: {  	[dreg:$0x2] =	wrdreg s24  }
0xb0: {  	[dreg:$0x3] =	wrdreg s2  }
0xb1: {  	[dreg:$0x4] =	wrdreg s18  }
0xb2: {  	[dreg:$0x5] =	wrdreg $0x9  }
0xb3: {  	_ =	task.clear_ibuf [dreg:s8], $0x6FFFF;
	_ =	strace $0x90000046  }
0xb4: {  	s29 =	simm.s32 $0x9;
	_ =	strace $0x80000048  }
0xb5: {  	_ =	swait.ge [sflag:s29], $0x1  }
0xb6: {  	[sflag:s29] =	ssyncadd.s32 $0xFFFFFFFF  }
0xb7: {  	_ =	strace $0x90000048  }
0xb8: {  	_ =	sfence  }
0xb9: {  	s30 =	sld [smem:$0x0];
	_ =	sdelay $0x2  }
0xba: {  	s31 =	sshll.u32 s1, $0xD;
	s1 =	sshrl.u32 s1, $0x2  }
0xbb: {  	s3 =	sand.u32 $0x4000, s31;
	s1 =	sadd.s32 s1, s30  }
0xbc: {  	s0 =	sor.u32 s3, s0;
	s1 =	sshll.u32 s1, $0x11  }
0xbd: {  	s0 =	sor.u32 s1, s0  }
0xbe: {  	s0 =	sadd.s32 $0x8F2B, s0  }
0xbf: {  	[sflag:s0] =	ssyncadd.remote.s32 $0x1  }
0xc0: {  	_ =	sfence.sel $0xFFFF  }
0xc1: {  	[dreg:$0x0] =	wrdreg $0xFFFFFFFF;
	(pc) =	sbr.abs _section_cstart, $3  }
0xc2: {  	[dreg:$0x1] =	wrdreg $0xFFFFFFFF  }
0xc3: {  	_ =	task.clear_ibuf [dreg:s8], $0x2FFFF;
	_ =	strace $0x9FFFFFFF  }
0xc4: {  	(tm) =	ssettm $0x7FFFFFFF  }
0xc5: {  	_ =	shalt  }
tec
execute0_lowered:
.L_overlay_start_1:
0x0: {  	(tag) =	ssettag $0x1  }
0x1: {  	s4 =	rddreg [dreg:$0x0]  }
0x2: {  	s2 =	rddreg [dreg:$0x1]  }
0x3: {  	s6 =	rddreg [dreg:$0x2];
	s3 =	simm.s32 $0x0  }
0x4: {  	[smem:$0x7FF] =	sst s3;
	s16 =	sadd.s32 $0x100, s2  }
0x5: {  	s17 =	sadd.s32 $0x200, s2;
	_ =	strace $0x80000047;
	[dreg:$0x18] =	wrdreg s16  }
0x6: {  	s18 =	sadd.s32 $0x300, s2;
	[dreg:$0x19] =	wrdreg s17  }
0x7: {  	s19 =	sadd.s32 $0x400, s2;
	[dreg:$0x1a] =	wrdreg s18  }
0x8: {  	s21 =	sadd.s32 $0x500, s2;
	[dreg:$0x1b] =	wrdreg s19  }
0x9: {  	s24 =	sadd.s32 $0x600, s2;
	[dreg:$0x1c] =	wrdreg s21  }
0xa: {  	s26 =	sadd.s32 $0x700, s2;
	[dreg:$0x1d] =	wrdreg s24  }
0xb: {  	s25 =	simm.s32 $0x8880;
	[dreg:$0x1e] =	wrdreg s26  }
0xc: {  	s28 =	simm.s32 $0x9080;
	[dreg:$0x7] =	wrdreg s25  }
0xd: {  	s8 =	sadd.s32 $0x900, s2;
	[dreg:$0x8] =	wrdreg s28  }
0xe: {  	s7 =	simm.s32 $0x9880;
	[smem:$0x7F8] =	sst s8  }
0xf: {  	s10 =	sadd.s32 $0xA00, s2;
	[dreg:$0x9] =	wrdreg s7  }
0x10: {  	s9 =	simm.s32 $0xA080;
	[smem:$0x7F9] =	sst s10  }
0x11: {  	s12 =	sadd.s32 $0xB00, s2;
	[dreg:$0xa] =	wrdreg s9  }
0x12: {  	s11 =	simm.s32 $0xA880;
	[smem:$0x7FA] =	sst s12  }
0x13: {  	s14 =	sadd.s32 $0xC00, s2;
	[dreg:$0xb] =	wrdreg s11  }
0x14: {  	s0 =	srdreg.scid;
	s13 =	simm.s32 $0xB080;
	[smem:$0x7FB] =	sst s14  }
0x15: {  	s22 =	stileid.u32;
	[dreg:$0xc] =	wrdreg s13;
	s16 =	sadd.s32 $0xD00, s2  }
0x16: {  	s31 =	simm.s32 $0x80;
	s18 =	sadd.s32 $0xE00, s2;
	[smem:$0x7FC] =	sst s16  }
0x17: {  	s0 =	sand.u32 $0x1, s0;
	s17 =	simm.s32 $0xC080;
	[smem:$0x7FD] =	sst s18  }
0x18: {  	s1 =	sshll.u32 s22, $0x1;
	s19 =	simm.s32 $0xC880;
	[dreg:$0xe] =	wrdreg s17  }
0x19: {  	s1 =	sor.u32 s0, s1;
	s24 =	simm.s32 $0xE080;
	[dreg:$0xf] =	wrdreg s19  }
0x1a: {  	s0 =	ssub.s32 $0x2, s0;
	s25 =	simm.s32 $0xE880;
	[dreg:$0x12] =	wrdreg s24  }
0x1b: {  	s26 =	simm.s32 $0xF080;
	s5 =	smul.u32 $0x3, s1;
	[dreg:$0x13] =	wrdreg s25  }
0x1c: {  	s28 =	simm.s32 $0xF880;
	s1 =	smin.u32 s1, $0x4;
	[dreg:$0x14] =	wrdreg s26  }
0x1d: {  	s15 =	sshrl.u32 s0, $0x1;
	[dreg:$0x15] =	wrdreg s28;
	s1 =	sadd.s32 s1, s5  }
0x1e: {  	s0 =	ssub.s32 s0, s15;
	s15 =	simm.s32 $0xB880;
	s4 =	sadd.s32 s1, s4  }
0x1f: {  	[dreg:$0xd] =	wrdreg s15;
	s1 =	sshll.u32 s1, $0xC;
	s4 =	sadd.s32 $0x400, s4  }
0x20: {  	s5 =	sadd.s32 s6, s1;
	s6 =	sadd.s32 $0x800, s2;
	[dreg:$0x4] =	wrdreg s4  }
0x21: {  	s30 =	simm.s32 $0x2080;
	s29 =	sadd.s32 $0xF00, s2;
	[dreg:$0x1f] =	wrdreg s6  }
0x22: {  	p0 =	sgt.u32 s22, $0x1;
	s20 =	sadd.s32 $0x1000, s5;
	[dreg:$0x16] =	wrdreg s5  }
0x23: {  	s19 =	simm.s32 $0x6880;
	s23 =	sadd.s32 $0x3000, s5;
	[dreg:$0x5] =	wrdreg s20  }
0x24: {  	s2 =	simm.s32 $0x7880;
	s21 =	sadd.s32 $0x2000, s5;
	[dreg:$0x6] =	wrdreg s23  }
0x25: {  	v1 =	vlaneseq.u32;
	s4 =	simm.s32 $0x5880;
	s20 =	simm.s32 $0xD080;
	[dreg:$0x17] =	wrdreg s21  }
0x26: {  	v0 =	vand.u32 $0x7, v1;
	v1 =	vshrl.u32 v1, $0x3;
	s6 =	simm.s32 $0x7080;
	s23 =	simm.s32 $0xD880;
	[dreg:$0x10] =	wrdreg s20  }
0x27: {  	vm0 =	vmmov $0xffff;
	v1 =	vmul.u32 $0x8, v1;
	vm1 =	vmmov @!p0 $0xffff;
	s21 =	smax.u32 s0, $0x1;
	[dreg:$0x11] =	wrdreg s23;
	s23 =	simm.s32 $0x8080  }
.LBB2_1:
0x28: {  	s24 =	rddreg [dreg:$0x4];
	s22 =	simm.s32 $0x5  }
0x29: {  	[tilespmem:s3], [sflag:$0x5] =	stream.linear.gather [hbm4b:s24+s3], $0x20, $0x38;
	[tilespmem:$0x10080] =	vst v63  }
0x2a: {  	_ =	swait.ge [sflag:s22], $0x20  }
0x2b: {  	[sflag:s22] =	ssyncset.done $0x0  }
0x2c: {  	[sflag:s22] =	ssyncadd.s32 $0xFFFFFFE0  }
0x2d: {  	v2 =	vld.msk [tilespmem:$0x0], $0xff;
	_ =	sdelay $0x4  }
0x2e: {  	v3 =	vshll.u32 v2, $0x5  }
0x2f: {  	v2 =	vand.u32 $0x7, v2;
	v3 =	vand.u32 $0xFFFFFF00, v3  }
0x30: {  	v2 =	vor.u32 v2, v3  }
0x31: {  	v2 =	vperm.xlane v2, v0;
	_ =	sdelay $0x1  }
0x32: {  	v2 =	vadd.s32 v1, v2;
	_ =	sdelay $0x2  }
0x33: {  	s5 =	rddreg [dreg:$0x18]  }
0x34: {  	s20 =	rddreg [dreg:$0x1]  }
0x35: {  	[tilespmem:s31], [sflag:$0x1] =	stream.indirect_vreg.gather [hbm4b:s20+s3], $0x80, v2, vm0, $0xb8;
	[tilespmem:$0x10080] =	vst v63  }
0x36: {  	s26 =	simm.s32 $0x880;
	s7 =	rddreg [dreg:$0x19]  }
0x37: {  	[tilespmem:s26], [sflag:$0x1] =	stream.indirect_vreg.gather [hbm4b:s5+s3], $0x80, v2, vm0, $0xb8;
	[tilespmem:$0x10080] =	vst v63  }
0x38: {  	s28 =	simm.s32 $0x1080;
	s8 =	rddreg [dreg:$0x1a]  }
0x39: {  	[tilespmem:s28], [sflag:$0x1] =	stream.indirect_vreg.gather [hbm4b:s7+s3], $0x80, v2, vm0, $0xb8;
	[tilespmem:$0x10080] =	vst v63  }
0x3a: {  	s0 =	simm.s32 $0x1880;
	s9 =	rddreg [dreg:$0x1b]  }
0x3b: {  	[tilespmem:s0], [sflag:$0x1] =	stream.indirect_vreg.gather [hbm4b:s8+s3], $0x80, v2, vm0, $0xb8;
	[tilespmem:$0x10080] =	vst v63  }
0x3c: {  	s10 =	rddreg [dreg:$0x1c]  }
0x3d: {  	[tilespmem:s30], [sflag:$0x1] =	stream.indirect_vreg.gather [hbm4b:s9+s3], $0x80, v2, vm0, $0xb8;
	[tilespmem:$0x10080] =	vst v63  }
0x3e: {  	s11 =	rddreg [dreg:$0x1d];
	s22 =	simm.s32 $0x2880  }
0x3f: {  	[tilespmem:s22], [sflag:$0x1] =	stream.indirect_vreg.gather [hbm4b:s10+s3], $0x80, v2, vm0, $0xb8;
	[tilespmem:$0x10080] =	vst v63  }
0x40: {  	s15 =	simm.s32 $0x3080;
	s12 =	rddreg [dreg:$0x1e]  }
0x41: {  	[tilespmem:s15], [sflag:$0x1] =	stream.indirect_vreg.gather [hbm4b:s11+s3], $0x80, v2, vm0, $0xb8;
	[tilespmem:$0x10080] =	vst v63  }
0x42: {  	s16 =	simm.s32 $0x3880;
	s13 =	rddreg [dreg:$0x1f]  }
0x43: {  	[tilespmem:s16], [sflag:$0x1] =	stream.indirect_vreg.gather [hbm4b:s12+s3], $0x80, v2, vm0, $0xb8;
	[tilespmem:$0x10080] =	vst v63  }
0x44: {  	s17 =	simm.s32 $0x4080;
	s14 =	sld [smem:$0x7F8]  }
0x45: {  	[tilespmem:s17], [sflag:$0x1] =	stream.indirect_vreg.gather [hbm4b:s13+s3], $0x80, v2, vm0, $0xb8;
	[tilespmem:$0x10080] =	vst v63  }
0x46: {  	s18 =	simm.s32 $0x4880;
	s15 =	sld [smem:$0x7F9]  }
0x47: {  	[tilespmem:s18], [sflag:$0x1] =	stream.indirect_vreg.gather [hbm4b:s14+s3], $0x80, v2, vm0, $0xb8;
	[tilespmem:$0x10080] =	vst v63  }
0x48: {  	s24 =	simm.s32 $0x5080;
	s16 =	sld [smem:$0x7FA]  }
0x49: {  	[tilespmem:s24], [sflag:$0x1] =	stream.indirect_vreg.gather [hbm4b:s15+s3], $0x80, v2, vm0, $0xb8;
	[tilespmem:$0x10080] =	vst v63  }
0x4a: {  	s17 =	sld [smem:$0x7FB]  }
0x4b: {  	[tilespmem:s4], [sflag:$0x1] =	stream.indirect_vreg.gather [hbm4b:s16+s3], $0x80, v2, vm0, $0xb8;
	[tilespmem:$0x10080] =	vst v63  }
0x4c: {  	s0 =	simm.s32 $0x6080;
	s18 =	sld [smem:$0x7FC]  }
0x4d: {  	[tilespmem:s0], [sflag:$0x1] =	stream.indirect_vreg.gather [hbm4b:s17+s3], $0x80, v2, vm0, $0xb8;
	[tilespmem:$0x10080] =	vst v63  }
0x4e: {  	s1 =	sld [smem:$0x7FD]  }
0x4f: {  	[tilespmem:s19], [sflag:$0x1] =	stream.indirect_vreg.gather [hbm4b:s18+s3], $0x80, v2, vm0, $0xb8;
	[tilespmem:$0x10080] =	vst v63  }
0x50: {  	_ = 	snop  }
0x51: {  	[tilespmem:s6], [sflag:$0x1] =	stream.indirect_vreg.gather [hbm4b:s1+s3], $0x80, v2, vm0, $0xb8;
	[tilespmem:$0x10080] =	vst v63  }
0x52: {  	_ = 	snop  }
0x53: {  	[tilespmem:s2], [sflag:$0x1] =	stream.indirect_vreg.gather [hbm4b:s29+s3], $0x80, v2, vm0, $0xb8;
	[tilespmem:$0x10080] =	vst v63  }
0x54: {  	v2 =	vld.msk [tilespmem:$0x8], $0xff;
	_ =	sdelay $0x4  }
0x55: {  	v3 =	vshll.u32 v2, $0x5  }
0x56: {  	v2 =	vand.u32 $0x7, v2;
	v3 =	vand.u32 $0xFFFFFF00, v3  }
0x57: {  	v2 =	vor.u32 v2, v3  }
0x58: {  	v2 =	vperm.xlane v2, v0;
	_ =	sdelay $0x1  }
0x59: {  	v2 =	vadd.s32 v1, v2;
	_ =	sdelay $0x4  }
0x5a: {  	[tilespmem:s23], [sflag:$0x2] =	stream.indirect_vreg.gather [hbm4b:s20+s3], $0x80, v2, vm0, $0xb8;
	[tilespmem:$0x10080] =	vst v63  }
0x5b: {  	s24 =	rddreg [dreg:$0x7]  }
0x5c: {  	[tilespmem:s24], [sflag:$0x2] =	stream.indirect_vreg.gather [hbm4b:s5+s3], $0x80, v2, vm0, $0xb8;
	[tilespmem:$0x10080] =	vst v63  }
0x5d: {  	s25 =	rddreg [dreg:$0x8]  }
0x5e: {  	[tilespmem:s25], [sflag:$0x2] =	stream.indirect_vreg.gather [hbm4b:s7+s3], $0x80, v2, vm0, $0xb8;
	[tilespmem:$0x10080] =	vst v63  }
0x5f: {  	s24 =	rddreg [dreg:$0x9]  }
0x60: {  	[tilespmem:s24], [sflag:$0x2] =	stream.indirect_vreg.gather [hbm4b:s8+s3], $0x80, v2, vm0, $0xb8;
	[tilespmem:$0x10080] =	vst v63  }
0x61: {  	s25 =	rddreg [dreg:$0xa]  }
0x62: {  	[tilespmem:s25], [sflag:$0x2] =	stream.indirect_vreg.gather [hbm4b:s9+s3], $0x80, v2, vm0, $0xb8;
	[tilespmem:$0x10080] =	vst v63  }
0x63: {  	s24 =	rddreg [dreg:$0xb]  }
0x64: {  	[tilespmem:s24], [sflag:$0x2] =	stream.indirect_vreg.gather [hbm4b:s10+s3], $0x80, v2, vm0, $0xb8;
	[tilespmem:$0x10080] =	vst v63  }
0x65: {  	s25 =	rddreg [dreg:$0xc]  }
0x66: {  	[tilespmem:s25], [sflag:$0x2] =	stream.indirect_vreg.gather [hbm4b:s11+s3], $0x80, v2, vm0, $0xb8;
	[tilespmem:$0x10080] =	vst v63  }
0x67: {  	s24 =	rddreg [dreg:$0xd]  }
0x68: {  	[tilespmem:s24], [sflag:$0x2] =	stream.indirect_vreg.gather [hbm4b:s12+s3], $0x80, v2, vm0, $0xb8;
	[tilespmem:$0x10080] =	vst v63  }
0x69: {  	s25 =	rddreg [dreg:$0xe]  }
0x6a: {  	[tilespmem:s25], [sflag:$0x2] =	stream.indirect_vreg.gather [hbm4b:s13+s3], $0x80, v2, vm0, $0xb8;
	[tilespmem:$0x10080] =	vst v63  }
0x6b: {  	s24 =	rddreg [dreg:$0xf]  }
0x6c: {  	[tilespmem:s24], [sflag:$0x2] =	stream.indirect_vreg.gather [hbm4b:s14+s3], $0x80, v2, vm0, $0xb8;
	[tilespmem:$0x10080] =	vst v63  }
0x6d: {  	s25 =	rddreg [dreg:$0x10]  }
0x6e: {  	[tilespmem:s25], [sflag:$0x2] =	stream.indirect_vreg.gather [hbm4b:s15+s3], $0x80, v2, vm0, $0xb8;
	[tilespmem:$0x10080] =	vst v63  }
0x6f: {  	s24 =	rddreg [dreg:$0x11]  }
0x70: {  	[tilespmem:s24], [sflag:$0x2] =	stream.indirect_vreg.gather [hbm4b:s16+s3], $0x80, v2, vm0, $0xb8;
	[tilespmem:$0x10080] =	vst v63  }
0x71: {  	s25 =	rddreg [dreg:$0x12]  }
0x72: {  	[tilespmem:s25], [sflag:$0x2] =	stream.indirect_vreg.gather [hbm4b:s17+s3], $0x80, v2, vm0, $0xb8;
	[tilespmem:$0x10080] =	vst v63  }
0x73: {  	s24 =	rddreg [dreg:$0x13]  }
0x74: {  	[tilespmem:s24], [sflag:$0x2] =	stream.indirect_vreg.gather [hbm4b:s18+s3], $0x80, v2, vm0, $0xb8;
	[tilespmem:$0x10080] =	vst v63  }
0x75: {  	s25 =	rddreg [dreg:$0x14]  }
0x76: {  	[tilespmem:s25], [sflag:$0x2] =	stream.indirect_vreg.gather [hbm4b:s1+s3], $0x80, v2, vm0, $0xb8;
	[tilespmem:$0x10080] =	vst v63  }
0x77: {  	s24 =	rddreg [dreg:$0x15];
	s25 =	simm.s32 $0x1  }
0x78: {  	[tilespmem:s24], [sflag:$0x2] =	stream.indirect_vreg.gather [hbm4b:s29+s3], $0x80, v2, vm0, $0xb8;
	[tilespmem:$0x10080] =	vst v63  }
0x79: {  	_ =	swait.ge [sflag:s25], $0x8000  }
0x7a: {  	[sflag:s25] =	ssyncset.done $0x0  }
0x7b: {  	[sflag:s25] =	ssyncadd.s32 $0xFFFF8000;
	s25 =	rddreg [dreg:$0x16]  }
0x7c: {  	[hbm4b:s25+s3] =	stream.linear.scatter [tilespmem:s31], [sflag:$0x3], $0x8000, $0x38;
	[tilespmem:$0x10080] =	vst v63  }
0x7d: {  	s25 =	simm.s32 $0x3  }
0x7e: {  	_ =	swait.ge [sflag:s25], $0x8000  }
0x7f: {  	[sflag:s25] =	ssyncset.done $0x0  }
0x80: {  	[sflag:s25] =	ssyncadd.s32 $0xFFFF8000  }
0x81: {  	v2 =	vld.msk [tilespmem:$0x10], $0xff;
	_ =	sdelay $0x4  }
0x82: {  	v3 =	vshll.u32 v2, $0x5  }
0x83: {  	v2 =	vand.u32 $0x7, v2;
	v3 =	vand.u32 $0xFFFFFF00, v3  }
0x84: {  	v2 =	vor.u32 v2, v3  }
0x85: {  	v2 =	vperm.xlane v2, v0;
	_ =	sdelay $0x1  }
0x86: {  	v2 =	vadd.s32 v1, v2;
	_ =	sdelay $0x4  }
0x87: {  	[tilespmem:s31], [sflag:$0x1] =	stream.indirect_vreg.gather [hbm4b:s20+s3], $0x80, v2, vm0, $0xb8;
	[tilespmem:$0x10080] =	vst v63  }
0x88: {  	_ = 	snop  }
0x89: {  	[tilespmem:s26], [sflag:$0x1] =	stream.indirect_vreg.gather [hbm4b:s5+s3], $0x80, v2, vm0, $0xb8;
	[tilespmem:$0x10080] =	vst v63  }
0x8a: {  	_ = 	snop  }
0x8b: {  	[tilespmem:s28], [sflag:$0x1] =	stream.indirect_vreg.gather [hbm4b:s7+s3], $0x80, v2, vm0, $0xb8;
	[tilespmem:$0x10080] =	vst v63  }
0x8c: {  	s28 =	simm.s32 $0x1880  }
0x8d: {  	[tilespmem:s28], [sflag:$0x1] =	stream.indirect_vreg.gather [hbm4b:s8+s3], $0x80, v2, vm0, $0xb8;
	[tilespmem:$0x10080] =	vst v63  }
0x8e: {  	_ = 	snop  }
0x8f: {  	[tilespmem:s30], [sflag:$0x1] =	stream.indirect_vreg.gather [hbm4b:s9+s3], $0x80, v2, vm0, $0xb8;
	[tilespmem:$0x10080] =	vst v63  }
0x90: {  	_ = 	snop  }
0x91: {  	[tilespmem:s22], [sflag:$0x1] =	stream.indirect_vreg.gather [hbm4b:s10+s3], $0x80, v2, vm0, $0xb8;
	[tilespmem:$0x10080] =	vst v63  }
0x92: {  	s24 =	simm.s32 $0x3080  }
0x93: {  	[tilespmem:s24], [sflag:$0x1] =	stream.indirect_vreg.gather [hbm4b:s11+s3], $0x80, v2, vm0, $0xb8;
	[tilespmem:$0x10080] =	vst v63  }
0x94: {  	s25 =	simm.s32 $0x3880  }
0x95: {  	[tilespmem:s25], [sflag:$0x1] =	stream.indirect_vreg.gather [hbm4b:s12+s3], $0x80, v2, vm0, $0xb8;
	[tilespmem:$0x10080] =	vst v63  }
0x96: {  	s26 =	simm.s32 $0x4080  }
0x97: {  	[tilespmem:s26], [sflag:$0x1] =	stream.indirect_vreg.gather [hbm4b:s13+s3], $0x80, v2, vm0, $0xb8;
	[tilespmem:$0x10080] =	vst v63  }
0x98: {  	s28 =	simm.s32 $0x4880  }
0x99: {  	[tilespmem:s28], [sflag:$0x1] =	stream.indirect_vreg.gather [hbm4b:s14+s3], $0x80, v2, vm0, $0xb8;
	[tilespmem:$0x10080] =	vst v63  }
0x9a: {  	s24 =	simm.s32 $0x5080  }
0x9b: {  	[tilespmem:s24], [sflag:$0x1] =	stream.indirect_vreg.gather [hbm4b:s15+s3], $0x80, v2, vm0, $0xb8;
	[tilespmem:$0x10080] =	vst v63  }
0x9c: {  	_ = 	snop  }
0x9d: {  	[tilespmem:s4], [sflag:$0x1] =	stream.indirect_vreg.gather [hbm4b:s16+s3], $0x80, v2, vm0, $0xb8;
	[tilespmem:$0x10080] =	vst v63  }
0x9e: {  	_ = 	snop  }
0x9f: {  	[tilespmem:s0], [sflag:$0x1] =	stream.indirect_vreg.gather [hbm4b:s17+s3], $0x80, v2, vm0, $0xb8;
	[tilespmem:$0x10080] =	vst v63  }
0xa0: {  	_ = 	snop  }
0xa1: {  	[tilespmem:s19], [sflag:$0x1] =	stream.indirect_vreg.gather [hbm4b:s18+s3], $0x80, v2, vm0, $0xb8;
	[tilespmem:$0x10080] =	vst v63  }
0xa2: {  	_ = 	snop  }
0xa3: {  	[tilespmem:s6], [sflag:$0x1] =	stream.indirect_vreg.gather [hbm4b:s1+s3], $0x80, v2, vm0, $0xb8;
	[tilespmem:$0x10080] =	vst v63  }
0xa4: {  	s25 =	simm.s32 $0x2  }
0xa5: {  	[tilespmem:s2], [sflag:$0x1] =	stream.indirect_vreg.gather [hbm4b:s29+s3], $0x80, v2, vm0, $0xb8;
	[tilespmem:$0x10080] =	vst v63  }
0xa6: {  	_ =	swait.ge [sflag:s25], $0x8000  }
0xa7: {  	[sflag:s25] =	ssyncset.done $0x0  }
0xa8: {  	s28 =	simm.s32 $0x4;
	s26 =	rddreg [dreg:$0x5];
	[sflag:s25] =	ssyncadd.s32 $0xFFFF8000  }
0xa9: {  	[hbm4b:s26+s3] =	stream.linear.scatter [tilespmem:s23], [sflag:$0x4], $0x8000, $0x38;
	[tilespmem:$0x10080] =	vst v63  }
0xaa: {  	_ =	swait.ge [sflag:s28], $0x8000  }
0xab: {  	[sflag:s28] =	ssyncset.done $0x0  }
0xac: {  	s24 =	simm.s32 @p0 $0x1;
	[sflag:s28] =	ssyncadd.s32 $0xFFFF8000  }
0xad: {  	_ =	swait.ge @p0 [sflag:s24], $0x8000  }
0xae: {  	s25 =	simm.s32 @p0 $0x80;
	[sflag:s24] =	ssyncset.done @p0 $0x0  }
0xaf: {  	s0 =	rddreg [dreg:$0x17];
	[sflag:s24] =	ssyncadd.s32 @p0 $0xFFFF8000;
	s24 =	simm.s32 @p0 $0x0  }
0xb0: {  	[hbm4b:s0+s24] =	stream.linear.scatter @p0 [tilespmem:s25], [sflag:$0x3], $0x8000, $0x38;
	[tilespmem:$0x10080] =	vst v63  }
0xb1: {  	v2 =	vld.msk @!p0 [tilespmem:$0x18], $0xff;
	_ =	sdelay $0x4  }
0xb2: {  	v3 =	vshll.u32 @!p0 v2, $0x5  }
0xb3: {  	v4 =	vlaneseq.u32 @!p0;
	v2 =	vand.u32 @!p0 $0x7, v2;
	v3 =	vand.u32 @!p0 $0xFFFFFF00, v3  }
0xb4: {  	v2 =	vor.u32 @!p0 v2, v3;
	v3 =	vand.u32 @!p0 $0x7, v4;
	v4 =	vshrl.u32 @!p0 v4, $0x3  }
0xb5: {  	v2 =	vperm.xlane @!p0 v2, v3;
	v3 =	vmul.u32 @!p0 $0x8, v4;
	_ =	sdelay $0x1  }
0xb6: {  	v2 =	vadd.s32 @!p0 v3, v2;
	_ =	sdelay $0x3  }
0xb7: {  	s24 =	simm.s32 @!p0 $0x0;
	s25 =	simm.s32 @!p0 $0x8080  }
0xb8: {  	[tilespmem:s25], [sflag:$0x2] =	stream.indirect_vreg.gather @!p0 [hbm4b:s20+s24], $0x80, v2, vm1, $0xb8;
	[tilespmem:$0x10080] =	vst v63  }
0xb9: {  	s26 =	simm.s32 @!p0 $0x8880  }
0xba: {  	[tilespmem:s26], [sflag:$0x2] =	stream.indirect_vreg.gather @!p0 [hbm4b:s5+s24], $0x80, v2, vm1, $0xb8;
	[tilespmem:$0x10080] =	vst v63  }
0xbb: {  	s26 =	simm.s32 @!p0 $0x9080  }
0xbc: {  	[tilespmem:s26], [sflag:$0x2] =	stream.indirect_vreg.gather @!p0 [hbm4b:s7+s24], $0x80, v2, vm1, $0xb8;
	[tilespmem:$0x10080] =	vst v63  }
0xbd: {  	s26 =	simm.s32 @!p0 $0x9880  }
0xbe: {  	[tilespmem:s26], [sflag:$0x2] =	stream.indirect_vreg.gather @!p0 [hbm4b:s8+s24], $0x80, v2, vm1, $0xb8;
	[tilespmem:$0x10080] =	vst v63  }
0xbf: {  	s26 =	simm.s32 @!p0 $0xA080  }
0xc0: {  	[tilespmem:s26], [sflag:$0x2] =	stream.indirect_vreg.gather @!p0 [hbm4b:s9+s24], $0x80, v2, vm1, $0xb8;
	[tilespmem:$0x10080] =	vst v63  }
0xc1: {  	s26 =	simm.s32 @!p0 $0xA880  }
0xc2: {  	[tilespmem:s26], [sflag:$0x2] =	stream.indirect_vreg.gather @!p0 [hbm4b:s10+s24], $0x80, v2, vm1, $0xb8;
	[tilespmem:$0x10080] =	vst v63  }
0xc3: {  	s26 =	simm.s32 @!p0 $0xB080  }
0xc4: {  	[tilespmem:s26], [sflag:$0x2] =	stream.indirect_vreg.gather @!p0 [hbm4b:s11+s24], $0x80, v2, vm1, $0xb8;
	[tilespmem:$0x10080] =	vst v63  }
0xc5: {  	s26 =	simm.s32 @!p0 $0xB880  }
0xc6: {  	[tilespmem:s26], [sflag:$0x2] =	stream.indirect_vreg.gather @!p0 [hbm4b:s12+s24], $0x80, v2, vm1, $0xb8;
	[tilespmem:$0x10080] =	vst v63  }
0xc7: {  	s26 =	simm.s32 @!p0 $0xC080  }
0xc8: {  	[tilespmem:s26], [sflag:$0x2] =	stream.indirect_vreg.gather @!p0 [hbm4b:s13+s24], $0x80, v2, vm1, $0xb8;
	[tilespmem:$0x10080] =	vst v63  }
0xc9: {  	s26 =	simm.s32 @!p0 $0xC880  }
0xca: {  	[tilespmem:s26], [sflag:$0x2] =	stream.indirect_vreg.gather @!p0 [hbm4b:s14+s24], $0x80, v2, vm1, $0xb8;
	[tilespmem:$0x10080] =	vst v63  }
0xcb: {  	s26 =	simm.s32 @!p0 $0xD080  }
0xcc: {  	[tilespmem:s26], [sflag:$0x2] =	stream.indirect_vreg.gather @!p0 [hbm4b:s15+s24], $0x80, v2, vm1, $0xb8;
	[tilespmem:$0x10080] =	vst v63  }
0xcd: {  	s26 =	simm.s32 @!p0 $0xD880  }
0xce: {  	[tilespmem:s26], [sflag:$0x2] =	stream.indirect_vreg.gather @!p0 [hbm4b:s16+s24], $0x80, v2, vm1, $0xb8;
	[tilespmem:$0x10080] =	vst v63  }
0xcf: {  	s26 =	simm.s32 @!p0 $0xE080  }
0xd0: {  	[tilespmem:s26], [sflag:$0x2] =	stream.indirect_vreg.gather @!p0 [hbm4b:s17+s24], $0x80, v2, vm1, $0xb8;
	[tilespmem:$0x10080] =	vst v63  }
0xd1: {  	s26 =	simm.s32 @!p0 $0xE880  }
0xd2: {  	[tilespmem:s26], [sflag:$0x2] =	stream.indirect_vreg.gather @!p0 [hbm4b:s18+s24], $0x80, v2, vm1, $0xb8;
	[tilespmem:$0x10080] =	vst v63  }
0xd3: {  	s26 =	simm.s32 @!p0 $0xF080  }
0xd4: {  	[tilespmem:s26], [sflag:$0x2] =	stream.indirect_vreg.gather @!p0 [hbm4b:s1+s24], $0x80, v2, vm1, $0xb8;
	[tilespmem:$0x10080] =	vst v63  }
0xd5: {  	s26 =	simm.s32 @!p0 $0xF880  }
0xd6: {  	[tilespmem:s26], [sflag:$0x2] =	stream.indirect_vreg.gather @!p0 [hbm4b:s29+s24], $0x80, v2, vm1, $0xb8;
	[tilespmem:$0x10080] =	vst v63  }
0xd7: {  	s26 =	simm.s32 @!p0 $0x1  }
0xd8: {  	_ =	swait.ge @!p0 [sflag:s26], $0x8000  }
0xd9: {  	[sflag:s26] =	ssyncset.done @!p0 $0x0  }
0xda: {  	[sflag:s26] =	ssyncadd.s32 @!p0 $0xFFFF8000;
	s26 =	simm.s32 @!p0 $0x80  }
0xdb: {  	[hbm4b:s0+s24] =	stream.linear.scatter @!p0 [tilespmem:s26], [sflag:$0x3], $0x8000, $0x38;
	[tilespmem:$0x10080] =	vst v63  }
0xdc: {  	s26 =	simm.s32 @!p0 $0x2  }
0xdd: {  	_ =	swait.ge @!p0 [sflag:s26], $0x8000  }
0xde: {  	[sflag:s26] =	ssyncset.done @!p0 $0x0  }
0xdf: {  	s28 =	rddreg [dreg:$0x6];
	[sflag:s26] =	ssyncadd.s32 @!p0 $0xFFFF8000  }
0xe0: {  	[hbm4b:s28+s24] =	stream.linear.scatter @!p0 [tilespmem:s25], [sflag:$0x4], $0x8000, $0x38;
	[tilespmem:$0x10080] =	vst v63  }
0xe1: {  	s21 =	sadd.s32 $0xFFFFFFFF, s21;
	s24 =	simm.s32 @!p0 $0x3  }
0xe2: {  	p1 =	sne.s32 s21, $0x0;
	_ =	swait.ge @!p0 [sflag:s24], $0x8000  }
.Ltmp0:
0xe3: {  	s25 =	simm.s32 @!p0 $0x4;
	[sflag:s24] =	ssyncset.done @!p0 $0x0;
	(pc) =	sbr.rel @p1 .LBB2_1-.Ltmp0, $4  }
0xe4: {  	s25 =	simm.s32 @p0 $0x3;
	[sflag:s24] =	ssyncadd.s32 @!p0 $0xFFFF8000  }
0xe5: {  	_ =	swait.ge [sflag:s25], $0x8000  }
0xe6: {  	[sflag:s25] =	ssyncset.done $0x0  }
0xe7: {  	[sflag:s25] =	ssyncadd.s32 $0xFFFF8000  }
0xe8: {  	_ =	sfence.sel $0x180000  }
0xe9: {  	[bflag:$0x0] =	sbarrier.arrive $0xFFFF  }
0xea: {  	_ =	strace $0x90000047  }
0xeb: {  	s0 =	stileid.u32;
	[bflag:$0x2] =	sbarrier.arrive $0xFFFF  }
0xec: {  	p0 =	sne.s32 s0, $0x0;
	s0 =	rddreg [dreg:$0x3]  }
0xed: {  	s0 =	sadd.s32 @!p0 $0x100000, s0  }
0xee: {  	[sflag:s0] =	ssyncadd.tile.s32 @!p0 $0x1;
	_ =	shalt  }
.Lfunc_end2:
_tile_overlayer_lowered:
.L_overlay_start_2:
0xef: {  	(tag) =	ssettag $0x2  }
0xf0: {  	s0 =	rddreg [dreg:$0x0];
	s2 =	stileid.u32  }
0xf1: {  	s1 =	rddreg [dreg:$0x1];
	p0 =	sne.s32 s2, $0x0  }
0xf2: {  	s3 =	rddreg [dreg:$0x2];
	[bflag:$0x3] =	sbarrier.arrive $0xFFFF;
	s2 =	simm.s32 @!p0 $0x1C05  }
0xf3: {  	[timem:s3], [sflag:s2] =	dma.local @!p0 [hbm:s0], s1  }
0xf4: {  	s0 =	simm.s32 @!p0 $0x5  }
0xf5: {  	_ =	swait.ge @!p0 [sflag:s0], s1  }
0xf6: {  	s1 =	ssub.s32 @!p0 $0x0, s1;
	[sflag:s0] =	ssyncset.done @!p0 $0x0  }
0xf7: {  	[sflag:s0] =	ssyncadd.s32 @!p0 s1  }
0xf8: {  	[bflag:$0x3] =	sbarrier.arrive $0xFFFF  }
0xf9: {  	_ =	shalt  }

</sc_bundles>
